<compile_context>
chip_gen: v7x
topology: tpu7x:2x2x1
jax: 0.10.2.dev20260603
libtpu: 0.0.44.dev20260713+nightly
codegen_flags: <defaults>
</compile_context>

<pallas_src>
import functools

import jax
import jax.numpy as jnp
from jax import lax
from jax.experimental import pallas as pl
from jax.experimental.pallas import tpu as pltpu
from jax.experimental.pallas import tpu_sc as plsc

D0 = 8192
D1 = 4096
TOTAL = D0 * D1
NWORK = 32
PER_W = TOTAL // NWORK
CHUNK = 32768
NCHUNK = PER_W // CHUNK
LANES = 16

_mesh = plsc.VectorSubcoreMesh(core_axis_name="c", subcore_axis_name="s")


@functools.partial(
    pl.kernel,
    mesh=_mesh,
    out_type=[
        jax.ShapeDtypeStruct((NWORK, LANES), jnp.float32),
        jax.ShapeDtypeStruct((NWORK, LANES), jnp.int32),
    ],
    scratch_types=[
        pltpu.VMEM((CHUNK,), jnp.float32),
        pltpu.VMEM((LANES,), jnp.float32),
        pltpu.VMEM((LANES,), jnp.int32),
    ],
)
def _sc_scan(x_hbm, val_out, idx_out, buf, vres, ires):
    cid = lax.axis_index("c")
    sid = lax.axis_index("s")
    wid = sid * 2 + cid
    base = wid * PER_W
    lane = lax.iota(jnp.int32, LANES)

    m0 = jnp.full((LANES,), -jnp.inf, jnp.float32)
    i0 = jnp.zeros((LANES,), jnp.int32)

    def chunk_body(c, carry):
        m, i = carry
        start = base + c * CHUNK
        pltpu.sync_copy(x_hbm.at[pl.ds(start, CHUNK)], buf)

        def vec_body(j, carry2):
            mv, iv = carry2
            v = buf[pl.ds(j * LANES, LANES)]
            idxv = (start + j * LANES) + lane
            take = v > mv
            return jnp.where(take, v, mv), jnp.where(take, idxv, iv)

        return lax.fori_loop(0, CHUNK // LANES, vec_body, (m, i))

    m, i = lax.fori_loop(0, NCHUNK, chunk_body, (m0, i0))
    vres[...] = m
    ires[...] = i
    pltpu.sync_copy(vres, val_out.at[wid])
    pltpu.sync_copy(ires, idx_out.at[wid])


def _finish_body(val_ref, idx_ref, out_ref):
    v = val_ref[...]
    i = idx_ref[...]
    m = jnp.max(v)
    cand = jnp.where(v == m, i, jnp.int32(2147483647))
    best = jnp.min(cand)
    out_ref[0] = best // D0
    out_ref[1] = best % D1


_tc_finish = pl.pallas_call(
    _finish_body,
    out_shape=jax.ShapeDtypeStruct((2,), jnp.int32),
    out_specs=pl.BlockSpec(memory_space=pltpu.SMEM),
)


def kernel(inputs):
    x = jnp.reshape(inputs, (TOTAL,))
    vals, idxs = _sc_scan(x)
    return _tc_finish(
        jnp.reshape(vals, (4, 128)), jnp.reshape(idxs, (4, 128))
    )

# --- scband reference (transcript-rebuilt; emitter-appended) ---
"""Pipeline reference for scband-max-layer-12180527251742 (READ-ONLY COPY).

The authoritative reference and input builder live on the scoring server;
editing this copy changes nothing except your own understanding.
"""

import jax, jax.numpy as jnp
import numpy as np

N0 = 8192
N1 = 4096

def setup_inputs(seed: int = 0) -> dict:
    key = jax.random.key(seed)
    inputs = jax.random.normal(key, (N0, N1), dtype=jnp.float32)
    return {"inputs": inputs}

def reference(inputs):
    # Faithful translation of MaxLayer.call:
    #   output = argmax of flattened input
    #   return [output // inputs.shape[0], output % inputs.shape[1]]
    # (note: the original code divides by shape[0] and mods by shape[1]; we
    #  reproduce that exact arithmetic.)
    flat = jnp.reshape(inputs, (-1,))
    idx = jnp.argmax(flat)
    coord0 = idx // inputs.shape[0]
    coord1 = idx % inputs.shape[1]
    return jnp.stack([coord0, coord1])

if __name__ == "__main__":
    import jax
    _d = setup_inputs()
    print(jax.jit(kernel)(*tuple(_d.values())))

</pallas_src>

<mosaic_0001>
#map = affine_map<(d0, d1) -> (0)>
#map1 = affine_map<(d0, d1) -> (0, 0)>
module attributes {stable_mosaic.version = 14 : i64} {
  func.func @_sc_scan(%arg0: i32, %arg1: i32, %arg2: memref<33554432xf32, #tpu.memory_space<hbm>>, %arg3: memref<32x16xf32, #tpu.memory_space<hbm>>, %arg4: memref<32x16xi32, #tpu.memory_space<hbm>>, %arg5: memref<32768xf32, #tpu.memory_space<vmem>>, %arg6: memref<16xf32, #tpu.memory_space<vmem>>, %arg7: memref<16xi32, #tpu.memory_space<vmem>>) attributes {dimension_semantics = [#tpu.dimension_semantics<core_parallel>, #tpu.dimension_semantics<subcore_parallel>], iteration_bounds = array<i64: 2, 16>, scalar_prefetch = 0 : i64, scratch_operands = 3 : i64, tpu.core_type = #tpu.core_type<sc_vector_subcore>, window_params = [{transform_indices = #map}, {transform_indices = #map1}, {transform_indices = #map1}]} {
    %mul3A = arith.constant 2 : i32
    %mul3A_0 = arith.muli %arg1, %mul3A : i32
    %add3A = arith.addi %mul3A_0, %arg0 : i32
    %mul3A_1 = arith.constant 1048576 : i32
    %mul3A_2 = arith.muli %add3A, %mul3A_1 : i32
    %iota3A = tpu.iota {dimensions = array<i32: 0>} : vector<16xi32>
    %broadcast_in_dim3A = arith.constant 0xFF800000 : f32
    %broadcast_in_dim3A_3 = vector.broadcast %broadcast_in_dim3A : f32 to vector<16xf32>
    %broadcast_in_dim3A_4 = arith.constant 0 : i32
    %broadcast_in_dim3A_5 = vector.broadcast %broadcast_in_dim3A_4 : i32 to vector<16xi32>
    %scan3A = arith.constant 0 : i32
    %scan3A_6 = arith.constant 32 : i32
    %scan3A_7 = arith.addi %scan3A, %scan3A_6 : i32
    %scan3A_8 = arith.constant 1 : i32
    %scan3A_9:2 = scf.for %scan3A_18 = %scan3A to %scan3A_7 step %scan3A_8 iter_args(%scan3A_19 = %broadcast_in_dim3A_3, %scan3A_20 = %broadcast_in_dim3A_5) -> (vector<16xf32>, vector<16xi32>)  : i32 {
      %mul3A_21 = arith.constant 32768 : i32
      %mul3A_22 = arith.muli %scan3A_18, %mul3A_21 : i32
      %add3A_23 = arith.addi %mul3A_2, %mul3A_22 : i32
      "tpu.region"() ({
        %run_scoped3A = tpu.sem_alloc : memref<!tpu.dma_semaphore, #tpu.memory_space<semaphore_mem>>
        %dma_start3A = tpu.memref_slice %arg2[%add3A_23] : memref<33554432xf32, #tpu.memory_space<hbm>> -> memref<32768xf32, #tpu.memory_space<hbm>>
        %dma_start3A_30 = tpu.memref_slice %arg2[%add3A_23] : memref<33554432xf32, #tpu.memory_space<hbm>> -> memref<32768xf32, #tpu.memory_space<hbm>>
        tpu.enqueue_dma source(%dma_start3A_30 : memref<32768xf32, #tpu.memory_space<hbm>>) target(%arg5 : memref<32768xf32, #tpu.memory_space<vmem>>) target_semaphore(%run_scoped3A : memref<!tpu.dma_semaphore, #tpu.memory_space<semaphore_mem>>)
        %dma_wait3A = tpu.memref_slice %arg2[%add3A_23] : memref<33554432xf32, #tpu.memory_space<hbm>> -> memref<32768xf32, #tpu.memory_space<hbm>>
        %dma_wait3A_31 = tpu.memref_slice %arg2[%add3A_23] : memref<33554432xf32, #tpu.memory_space<hbm>> -> memref<32768xf32, #tpu.memory_space<hbm>>
        tpu.wait_dma2 semaphore(%run_scoped3A : memref<!tpu.dma_semaphore, #tpu.memory_space<semaphore_mem>>) src(%dma_wait3A_31 : memref<32768xf32, #tpu.memory_space<hbm>>) dst(%arg5 : memref<32768xf32, #tpu.memory_space<vmem>>)
        tpu.yield
      }) : () -> ()
      %scan3A_24 = arith.constant 0 : i32
      %scan3A_25 = arith.constant 2048 : i32
      %scan3A_26 = arith.addi %scan3A_24, %scan3A_25 : i32
      %scan3A_27 = arith.constant 1 : i32
      %scan3A_28:2 = scf.for %scan3A_30 = %scan3A_24 to %scan3A_26 step %scan3A_27 iter_args(%scan3A_31 = %scan3A_19, %scan3A_32 = %scan3A_20) -> (vector<16xf32>, vector<16xi32>)  : i32 {
        %mul3A_33 = arith.constant 16 : i32
        %mul3A_34 = arith.muli %scan3A_30, %mul3A_33 : i32
        %get3A = arith.index_cast %mul3A_34 : i32 to index
        %get3A_35 = tpu.vector_load %arg5[%get3A] {strides = array<i32>} : memref<32768xf32, #tpu.memory_space<vmem>>, vector<16xf32>,
        %get3A_36 = vector.shape_cast %get3A_35 : vector<16xf32> to vector<16xf32>
        %mul3A_37 = arith.constant 16 : i32
        %mul3A_38 = arith.muli %scan3A_30, %mul3A_37 : i32
        %add3A_39 = arith.addi %add3A_23, %mul3A_38 : i32
        %add3A_40 = vector.broadcast %add3A_39 : i32 to vector<16xi32>
        %add3A_41 = arith.addi %add3A_40, %iota3A : vector<16xi32>
        %gt3A = arith.cmpf ogt, %get3A_36, %scan3A_31 : vector<16xf32>
        %select_n3A = arith.select %gt3A, %get3A_36, %scan3A_31 : vector<16xi1>, vector<16xf32>
        %select_n3A_42 = arith.select %gt3A, %add3A_41, %scan3A_32 : vector<16xi1>, vector<16xi32>
        scf.yield %select_n3A, %select_n3A_42 : vector<16xf32>, vector<16xi32>
      }
      %scan3A_29 = arith.constant 2048 : i32
      scf.yield %scan3A_28#0, %scan3A_28#1 : vector<16xf32>, vector<16xi32>
    }
    %scan3A_10 = arith.constant 32 : i32
    %swap3A = arith.constant 0 : index
    %swap3A_11 = tpu.vector_load %arg6[%swap3A] {strides = array<i32>} : memref<16xf32, #tpu.memory_space<vmem>>, vector<16xf32>,
    %swap3A_12 = vector.shape_cast %swap3A_11 : vector<16xf32> to vector<16xf32>
    %swap3A_13 = vector.shape_cast %scan3A_9#0 : vector<16xf32> to vector<16xf32>
    tpu.vector_store %arg6[%swap3A], %swap3A_13 {strides = array<i32>} : memref<16xf32, #tpu.memory_space<vmem>>, vector<16xf32>,
    %swap3A_14 = arith.constant 0 : index
    %swap3A_15 = tpu.vector_load %arg7[%swap3A_14] {strides = array<i32>} : memref<16xi32, #tpu.memory_space<vmem>>, vector<16xi32>,
    %swap3A_16 = vector.shape_cast %swap3A_15 : vector<16xi32> to vector<16xi32>
    %swap3A_17 = vector.shape_cast %scan3A_9#1 : vector<16xi32> to vector<16xi32>
    tpu.vector_store %arg7[%swap3A_14], %swap3A_17 {strides = array<i32>} : memref<16xi32, #tpu.memory_space<vmem>>, vector<16xi32>,
    "tpu.region"() ({
      %run_scoped3A = tpu.sem_alloc : memref<!tpu.dma_semaphore, #tpu.memory_space<semaphore_mem>>
      %dma_start3A = arith.constant 0 : i32
      %dma_start3A_18 = tpu.memref_slice %arg3[%add3A, %dma_start3A] : memref<32x16xf32, #tpu.memory_space<hbm>> -> memref<1x16xf32, #tpu.memory_space<hbm>>
      %dma_start3A_19 = tpu.memref_squeeze %dma_start3A_18 : memref<1x16xf32, #tpu.memory_space<hbm>> -> memref<16xf32, #tpu.memory_space<hbm>>
      %dma_start3A_20 = arith.constant 0 : i32
      %dma_start3A_21 = tpu.memref_slice %arg3[%add3A, %dma_start3A_20] : memref<32x16xf32, #tpu.memory_space<hbm>> -> memref<1x16xf32, #tpu.memory_space<hbm>>
      %dma_start3A_22 = tpu.memref_squeeze %dma_start3A_21 : memref<1x16xf32, #tpu.memory_space<hbm>> -> memref<16xf32, #tpu.memory_space<hbm>>
      tpu.enqueue_dma source(%arg6 : memref<16xf32, #tpu.memory_space<vmem>>) target(%dma_start3A_22 : memref<16xf32, #tpu.memory_space<hbm>>) target_semaphore(%run_scoped3A : memref<!tpu.dma_semaphore, #tpu.memory_space<semaphore_mem>>)
      %dma_wait3A = arith.constant 0 : i32
      %dma_wait3A_23 = tpu.memref_slice %arg3[%add3A, %dma_wait3A] : memref<32x16xf32, #tpu.memory_space<hbm>> -> memref<1x16xf32, #tpu.memory_space<hbm>>
      %dma_wait3A_24 = tpu.memref_squeeze %dma_wait3A_23 : memref<1x16xf32, #tpu.memory_space<hbm>> -> memref<16xf32, #tpu.memory_space<hbm>>
      %dma_wait3A_25 = arith.constant 0 : i32
      %dma_wait3A_26 = tpu.memref_slice %arg3[%add3A, %dma_wait3A_25] : memref<32x16xf32, #tpu.memory_space<hbm>> -> memref<1x16xf32, #tpu.memory_space<hbm>>
      %dma_wait3A_27 = tpu.memref_squeeze %dma_wait3A_26 : memref<1x16xf32, #tpu.memory_space<hbm>> -> memref<16xf32, #tpu.memory_space<hbm>>
      tpu.wait_dma2 semaphore(%run_scoped3A : memref<!tpu.dma_semaphore, #tpu.memory_space<semaphore_mem>>) src(%arg6 : memref<16xf32, #tpu.memory_space<vmem>>) dst(%dma_wait3A_27 : memref<16xf32, #tpu.memory_space<hbm>>)
      tpu.yield
    }) : () -> ()
    "tpu.region"() ({
      %run_scoped3A = tpu.sem_alloc : memref<!tpu.dma_semaphore, #tpu.memory_space<semaphore_mem>>
      %dma_start3A = arith.constant 0 : i32
      %dma_start3A_18 = tpu.memref_slice %arg4[%add3A, %dma_start3A] : memref<32x16xi32, #tpu.memory_space<hbm>> -> memref<1x16xi32, #tpu.memory_space<hbm>>
      %dma_start3A_19 = tpu.memref_squeeze %dma_start3A_18 : memref<1x16xi32, #tpu.memory_space<hbm>> -> memref<16xi32, #tpu.memory_space<hbm>>
      %dma_start3A_20 = arith.constant 0 : i32
      %dma_start3A_21 = tpu.memref_slice %arg4[%add3A, %dma_start3A_20] : memref<32x16xi32, #tpu.memory_space<hbm>> -> memref<1x16xi32, #tpu.memory_space<hbm>>
      %dma_start3A_22 = tpu.memref_squeeze %dma_start3A_21 : memref<1x16xi32, #tpu.memory_space<hbm>> -> memref<16xi32, #tpu.memory_space<hbm>>
      tpu.enqueue_dma source(%arg7 : memref<16xi32, #tpu.memory_space<vmem>>) target(%dma_start3A_22 : memref<16xi32, #tpu.memory_space<hbm>>) target_semaphore(%run_scoped3A : memref<!tpu.dma_semaphore, #tpu.memory_space<semaphore_mem>>)
      %dma_wait3A = arith.constant 0 : i32
      %dma_wait3A_23 = tpu.memref_slice %arg4[%add3A, %dma_wait3A] : memref<32x16xi32, #tpu.memory_space<hbm>> -> memref<1x16xi32, #tpu.memory_space<hbm>>
      %dma_wait3A_24 = tpu.memref_squeeze %dma_wait3A_23 : memref<1x16xi32, #tpu.memory_space<hbm>> -> memref<16xi32, #tpu.memory_space<hbm>>
      %dma_wait3A_25 = arith.constant 0 : i32
      %dma_wait3A_26 = tpu.memref_slice %arg4[%add3A, %dma_wait3A_25] : memref<32x16xi32, #tpu.memory_space<hbm>> -> memref<1x16xi32, #tpu.memory_space<hbm>>
      %dma_wait3A_27 = tpu.memref_squeeze %dma_wait3A_26 : memref<1x16xi32, #tpu.memory_space<hbm>> -> memref<16xi32, #tpu.memory_space<hbm>>
      tpu.wait_dma2 semaphore(%run_scoped3A : memref<!tpu.dma_semaphore, #tpu.memory_space<semaphore_mem>>) src(%arg7 : memref<16xi32, #tpu.memory_space<vmem>>) dst(%dma_wait3A_27 : memref<16xi32, #tpu.memory_space<hbm>>)
      tpu.yield
    }) : () -> ()
    return
  }
}

module attributes {stable_mosaic.version = 14 : i64} {
  func.func @_finish_body(%arg0: memref<4x128xf32, #tpu.memory_space<vmem>>, %arg1: memref<4x128xi32, #tpu.memory_space<vmem>>, %arg2: memref<2xi32, #tpu.memory_space<smem>>) attributes {dimension_semantics = [], scalar_prefetch = 0 : i64, scratch_operands = 0 : i64, tpu.core_type = #tpu.core_type<tc>} {
    %get3A = arith.constant 0 : index
    %get3A_0 = arith.constant 0 : index
    %get3A_1 = vector.load %arg0[%get3A, %get3A_0] : memref<4x128xf32, #tpu.memory_space<vmem>>, vector<4x128xf32>
    %get3A_2 = arith.constant 0 : index
    %get3A_3 = arith.constant 0 : index
    %get3A_4 = vector.load %arg1[%get3A_2, %get3A_3] : memref<4x128xi32, #tpu.memory_space<vmem>>, vector<4x128xi32>
    %reduce_max3A = vector.shape_cast %get3A_1 : vector<4x128xf32> to vector<1x4x128xf32>
    %reduce_max3A_5 = arith.constant dense<0xFF800000> : vector<1xf32>
    %reduce_max3A_6 = vector.multi_reduction <maximumf>, %reduce_max3A, %reduce_max3A_5 [1, 2] : vector<1x4x128xf32> to vector<1xf32>
    %reduce_max3A_7 = vector.shape_cast %reduce_max3A_6 : vector<1xf32> to vector<1x1x1xf32>
    %reduce_max3A_8 = vector.extract %reduce_max3A_7[0, 0, 0] : f32 from vector<1x1x1xf32>
    %eq3A = vector.broadcast %reduce_max3A_8 : f32 to vector<4x128xf32>
    %eq3A_9 = arith.cmpf oeq, %get3A_1, %eq3A : vector<4x128xf32>
    %jit3A = arith.constant 2147483647 : i32
    %broadcast_in_dim3A = vector.broadcast %jit3A : i32 to vector<4x128xi32>
    %select_n3A = arith.select %eq3A_9, %get3A_4, %broadcast_in_dim3A : vector<4x128xi1>, vector<4x128xi32>
    %reduce_min3A = vector.shape_cast %select_n3A : vector<4x128xi32> to vector<1x4x128xi32>
    %reduce_min3A_10 = arith.constant dense<2147483647> : vector<1xi32>
    %reduce_min3A_11 = vector.multi_reduction <minsi>, %reduce_min3A, %reduce_min3A_10 [1, 2] : vector<1x4x128xi32> to vector<1xi32>
    %reduce_min3A_12 = vector.shape_cast %reduce_min3A_11 : vector<1xi32> to vector<1x1x1xi32>
    %reduce_min3A_13 = vector.extract %reduce_min3A_12[0, 0, 0] : i32 from vector<1x1x1xi32>
    %jit3A_14 = arith.constant 8192 : i32
    %div3A = arith.divsi %reduce_min3A_13, %jit3A_14 : i32
    %sign3A = arith.constant 0 : i32
    %sign3A_15 = arith.cmpi sgt, %reduce_min3A_13, %sign3A : i32
    %sign3A_16 = arith.extui %sign3A_15 : i1 to i32
    %sign3A_17 = arith.constant 0 : i32
    %sign3A_18 = arith.cmpi slt, %reduce_min3A_13, %sign3A_17 : i32
    %sign3A_19 = arith.extui %sign3A_18 : i1 to i32
    %sign3A_20 = arith.subi %sign3A_16, %sign3A_19 : i32
    %sign3A_21 = arith.constant 0 : i32
    %sign3A_22 = arith.cmpi sgt, %jit3A_14, %sign3A_21 : i32
    %sign3A_23 = arith.extui %sign3A_22 : i1 to i32
    %sign3A_24 = arith.constant 0 : i32
    %sign3A_25 = arith.cmpi slt, %jit3A_14, %sign3A_24 : i32
    %sign3A_26 = arith.extui %sign3A_25 : i1 to i32
    %sign3A_27 = arith.subi %sign3A_23, %sign3A_26 : i32
    %ne3A = arith.cmpi ne, %sign3A_20, %sign3A_27 : i32
    %rem3A = arith.remsi %reduce_min3A_13, %jit3A_14 : i32
    %ne3A_28 = arith.constant 0 : i32
    %ne3A_29 = arith.cmpi ne, %rem3A, %ne3A_28 : i32
    %and3A = arith.andi %ne3A, %ne3A_29 : i1
    %sub3A = arith.constant 1 : i32
    %sub3A_30 = arith.subi %div3A, %sub3A : i32
    %select_n3A_31 = arith.select %and3A, %sub3A_30, %div3A : i32
    %swap3A = arith.constant 0 : index
    %swap3A_32 = memref.load %arg2[%swap3A] : memref<2xi32, #tpu.memory_space<smem>>
    memref.store %select_n3A_31, %arg2[%swap3A] : memref<2xi32, #tpu.memory_space<smem>>
    %jit3A_33 = arith.constant 4096 : i32
    %eq3A_34 = arith.constant 0 : i32
    %eq3A_35 = arith.cmpi eq, %jit3A_33, %eq3A_34 : i32
    %jit3A_36 = arith.constant 1 : i32
    %select_n3A_37 = arith.select %eq3A_35, %jit3A_36, %jit3A_33 : i32
    %rem3A_38 = arith.remsi %reduce_min3A_13, %select_n3A_37 : i32
    %ne3A_39 = arith.constant 0 : i32
    %ne3A_40 = arith.cmpi ne, %rem3A_38, %ne3A_39 : i32
    %lt3A = arith.constant 0 : i32
    %lt3A_41 = arith.cmpi slt, %rem3A_38, %lt3A : i32
    %lt3A_42 = arith.constant 0 : i32
    %lt3A_43 = arith.cmpi slt, %select_n3A_37, %lt3A_42 : i32
    %ne3A_44 = arith.xori %lt3A_41, %lt3A_43 : i1
    %and3A_45 = arith.andi %ne3A_44, %ne3A_40 : i1
    %add3A = arith.addi %rem3A_38, %select_n3A_37 : i32
    %select_n3A_46 = arith.select %and3A_45, %add3A, %rem3A_38 : i32
    %swap3A_47 = arith.constant 1 : index
    %swap3A_48 = memref.load %arg2[%swap3A_47] : memref<2xi32, #tpu.memory_space<smem>>
    memref.store %select_n3A_46, %arg2[%swap3A_47] : memref<2xi32, #tpu.memory_space<smem>>
    return
  }
}

</mosaic_0001>

<sc_bundles>
// kernel: kernel.4.cloned.1.call-start
scs
__scs_entry_jumppad:
0x0: {  	(pc) =	sbr.rel $0x88, $3  }
0x1: {  	(tag) =	ssettag $0x0;
	lr =	simm.s32 $0x1  }
0x2: {  	[smem:$0x3FA0] =	sst lr;
	_ =	strace $0xD0000000  }
0x3: {  	_ = 	snop  }
0x4: {  	_ = 	snop  }
0x5: {  	_ = 	snop  }
0x6: {  	_ = 	snop  }
0x7: {  	_ = 	snop  }
__scs_overlays_trampoline_lowered:
0x8: {  	[smem:$0x3FAF] =	sst s0  }
0x9: {  	[smem:$0x3FB0] =	sst s1  }
0xa: {  	[smem:$0x3FB1] =	sst s2  }
0xb: {  	[smem:$0x3FB2] =	sst s3  }
0xc: {  	[smem:$0x3FB3] =	sst s4  }
0xd: {  	[smem:$0x3FB4] =	sst s5  }
0xe: {  	[smem:$0x3FB5] =	sst s6  }
0xf: {  	[smem:$0x3FB6] =	sst s7  }
0x10: {  	[smem:$0x3FB7] =	sst s8  }
0x11: {  	[smem:$0x3FB8] =	sst s9;
	s0 =	simm.s32 @!p0 $0x0  }
0x12: {  	s1 =	sld [smem:$0x3F9E];
	s0 =	simm.s32 @p0 $0x1  }
0x13: {  	[smem:$0x3FB9] =	sst s0;
	s0 =	simm.s32 @!p1 $0x0  }
0x14: {  	s2 =	sld [smem:$0x3F9D];
	s0 =	simm.s32 @p1 $0x1  }
0x15: {  	[smem:$0x3FBA] =	sst s0;
	s0 =	simm.s32 @!p2 $0x0  }
0x16: {  	s3 =	sld [smem:$0x3FDB];
	s0 =	simm.s32 @p2 $0x1  }
0x17: {  	s4 =	simm.s32 $0x1BF5;
	[smem:$0x3FBC] =	sst s0  }
0x18: {  	s0 =	sld [smem:$0x3F9F];
	_ =	swait.ge [sflag:s4], $0x0  }
0x19: {  	s7 =	sld [smem:$0x3FA0]  }
0x1a: {  	s8 =	sadd.s32 $0xFFFFE003, lr  }
0x1b: {  	s9 =	sadd.s32 $0xFFFFFEF7, lr;
	s5 =	simm.s32 $0xFFFFFFFF;
	p2 =	slt.u32 s8, $0xFFFFF086  }
0x1c: {  	p1 =	slt.u32 s9, $0xF7A;
	s5 =	simm.s32 @!p2 $0x0  }
0x1d: {  	s5 =	simm.s32 @p1 $0x1;
	p0 =	seq.s32 s7, s2  }
0x1e: {  	s7 =	smul.u32 @!p0 $0xF7A, s2;
	p2 =	seq.s32 @!p0 s5, $0x0  }
0x1f: {  	s9 =	smul.u32 $0xF7A, s1;
	s8 =	simm.s32 @!p0 $0x1BF5;
	p2 =	por !p2, p0  }
0x20: {  	[sflag:s8] =	ssyncset.s32 @!p0 $0xFFFFF086;
	s6 =	sadd.s32 @!p0 s3, s7;
	s7 =	simm.s32 @!p0 $0x108  }
0x21: {  	s3 =	sadd.s32 s3, s9;
	s6 =	sadd.s32 @!p0 $0x88, s6;
	s7 =	simm.s32 @p2 $0x1082  }
0x22: {  	[simem:s7], [sflag:s8] =	dma.local @!p0 [hbm:s6], $0xF7A  }
0x23: {  	s9 =	sor.u32 $0xD0000000, s2;
	s6 =	simm.s32 $0x108;
	_ =	swait.ge @!p0 [sflag:s8], $0x0  }
0x24: {  	s3 =	sadd.s32 $0x88, s3;
	s6 =	simm.s32 @!p1 $0x1082;
	[sflag:s4] =	ssyncset.s32 $0xFFFFF086  }
0x25: {  	[simem:s6], [sflag:s4] =	dma.local [hbm:s3], $0xF7A  }
0x26: {  	[smem:$0x3FA0] =	sst s1;
	(tag) =	ssettag s2;
	_ =	strace s9  }
0x27: {  	s1 =	sld [smem:$0x3FB0]  }
0x28: {  	s2 =	sld [smem:$0x3FB1]  }
0x29: {  	s4 =	sld [smem:$0x3FB3]  }
0x2a: {  	p0 =	seq.s32 s5, $0x0;
	s5 =	sld [smem:$0x3FB4]  }
0x2b: {  	s6 =	sld [smem:$0x3FB5]  }
0x2c: {  	s7 =	sld [smem:$0x3FB6]  }
0x2d: {  	s3 =	simm.s32 $0x108;
	s8 =	sld [smem:$0x3FB7]  }
0x2e: {  	s3 =	simm.s32 @!p0 $0x1082;
	s9 =	sld [smem:$0x3FB8]  }
0x2f: {  	lr =	sadd.s32 s0, s3;
	s0 =	sld [smem:$0x3FAF]  }
0x30: {  	s3 =	sld [smem:$0x3FB2]  }
0x31: {  	[smem:$0x3FBB] =	sst s10  }
0x32: {  	s10 =	sld [smem:$0x3FB9];
	_ =	sdelay $0x3  }
0x33: {  	p0 =	seq.s32 s10, $0x1;
	s10 =	sld [smem:$0x3FBB];
	_ =	sdelay $0x3  }
0x34: {  	[smem:$0x3FBB] =	sst s10  }
0x35: {  	s10 =	sld [smem:$0x3FBA];
	_ =	sdelay $0x3  }
0x36: {  	p1 =	seq.s32 s10, $0x1;
	s10 =	sld [smem:$0x3FBB];
	_ =	sdelay $0x3  }
0x37: {  	[smem:$0x3FBB] =	sst s10  }
0x38: {  	s10 =	sld [smem:$0x3FBC]  }
0x39: {  	_ = 	snop;
	(pc) =	sbr.ind lr, $3  }
0x3a: {  	_ = 	snop  }
0x3b: {  	_ = 	snop  }
0x3c: {  	p2 =	seq.s32 s10, $0x1;
	s10 =	sld [smem:$0x3FBB]  }
0x3d: {  	_ =	shalt  }
0x3e: {  	_ =	shalt  }
0x3f: {  	_ =	shalt  }
0x40: {  	_ =	shalt  }
0x41: {  	_ =	shalt  }
0x42: {  	_ =	shalt  }
0x43: {  	_ =	shalt  }
0x44: {  	_ =	shalt  }
0x45: {  	_ =	shalt  }
0x46: {  	_ =	shalt  }
0x47: {  	_ =	shalt  }
0x48: {  	_ =	shalt  }
0x49: {  	_ =	shalt  }
0x4a: {  	_ =	shalt  }
0x4b: {  	_ =	shalt  }
0x4c: {  	_ =	shalt  }
0x4d: {  	_ =	shalt  }
0x4e: {  	_ =	shalt  }
0x4f: {  	_ =	shalt  }
0x50: {  	_ =	shalt  }
0x51: {  	_ =	shalt  }
0x52: {  	_ =	shalt  }
0x53: {  	_ =	shalt  }
0x54: {  	_ =	shalt  }
0x55: {  	_ =	shalt  }
0x56: {  	_ =	shalt  }
0x57: {  	_ =	shalt  }
0x58: {  	_ =	shalt  }
0x59: {  	_ =	shalt  }
0x5a: {  	_ =	shalt  }
0x5b: {  	_ =	shalt  }
0x5c: {  	_ =	shalt  }
0x5d: {  	_ =	shalt  }
0x5e: {  	_ =	shalt  }
0x5f: {  	_ =	shalt  }
0x60: {  	_ =	shalt  }
0x61: {  	_ =	shalt  }
0x62: {  	_ =	shalt  }
0x63: {  	_ =	shalt  }
0x64: {  	_ =	shalt  }
0x65: {  	_ =	shalt  }
0x66: {  	_ =	shalt  }
0x67: {  	_ =	shalt  }
0x68: {  	_ =	shalt  }
0x69: {  	_ =	shalt  }
0x6a: {  	_ =	shalt  }
0x6b: {  	_ =	shalt  }
0x6c: {  	_ =	shalt  }
0x6d: {  	_ =	shalt  }
0x6e: {  	_ =	shalt  }
0x6f: {  	_ =	shalt  }
0x70: {  	_ =	shalt  }
0x71: {  	_ =	shalt  }
0x72: {  	_ =	shalt  }
0x73: {  	_ =	shalt  }
0x74: {  	_ =	shalt  }
0x75: {  	_ =	shalt  }
0x76: {  	_ =	shalt  }
0x77: {  	_ =	shalt  }
0x78: {  	_ =	shalt  }
0x79: {  	_ =	shalt  }
0x7a: {  	_ =	shalt  }
0x7b: {  	_ =	shalt  }
0x7c: {  	_ =	shalt  }
0x7d: {  	_ =	shalt  }
0x7e: {  	_ =	shalt  }
0x7f: {  	_ =	shalt  }
0x80: {  	_ =	shalt  }
0x81: {  	_ =	shalt  }
0x82: {  	_ =	shalt  }
0x83: {  	_ =	shalt  }
0x84: {  	_ =	shalt  }
0x85: {  	_ =	shalt  }
0x86: {  	_ =	shalt  }
0x87: {  	_ =	shalt  }
.Lfunc_end0:
.L_simem_size_0:
called_computation.1_lowered:
.L_overlay_start_0:
0x88: {  	s2 =	sld [smem:$0x3FD9]  }
0x89: {  	s3 =	sld [smem:$0x3FFE];
	_ =	sdelay $0x1  }
0x8a: {  	s1 =	srdreg.scid  }
0x8b: {  	s0 =	sand.u32 $0x1, s1  }
0x8c: {  	s16 =	sshll.u32 s0, $0xA;
	s2 =	sadd.s32 s3, s2  }
0x8d: {  	s2 =	sadd.s32 s2, s16  }
0x8e: {  	[smem:$0x3FC7] =	sst s2  }
0x8f: {  	_ = 	snop  }
0x90: {  	(tm) =	ssettm $0x1  }
0x91: {  	s17 =	sld [smem:$0x3FFB];
	_ =	sdelay $0x3  }
0x92: {  	_ =	strace s17  }
0x93: {  	s2 =	sld [smem:$0x3FFC];
	_ =	sdelay $0x3  }
0x94: {  	_ =	strace s2  }
0x95: {  	s2 =	sld [smem:$0x3FFD];
	_ =	sdelay $0x3  }
0x96: {  	_ =	strace s2  }
0x97: {  	_ =	strace $0x8FFFFFFF  }
0x98: {  	s18 =	sld [smem:$0x3FDB];
	_ =	sdelay $0x1  }
0x99: {  	s19 =	simm.s32 $_scs_section_size  }
0x9a: {  	s4 =	simm.s32 $_size__tile_overlayer_lowered;
	s5 =	simm.s32 $_tile_overlayer_lowered  }
0x9b: {  	s22 =	simm.s32 $0x1BFF;
	s21 =	sshll.u32 s5, $0x1;
	s2 =	sadd.s32 s19, s18  }
0x9c: {  	s6 =	simm.s32 $0x0;
	s20 =	sshll.u32 s4, $0x1;
	s4 =	sadd.s32 s21, s2  }
0x9d: {  	[timem:s6], [sflag:s22] =	dma.local [hbm:s4], s20  }
0x9e: {  	_ =	swait.ge [sflag:s22], s20  }
0x9f: {  	s3 =	ssub.s32 $0x0, s20;
	[sflag:s22] =	ssyncset.done $0x0  }
0xa0: {  	[sflag:s22] =	ssyncadd.s32 s3;
	_ =	sdelay $0x1  }
0xa1: {  	s23 =	simm.s32 $0x1B8B  }
0xa2: {  	_ =	swait.ge [sflag:s23], $0x1  }
0xa3: {  	[sflag:s23] =	ssyncset.done $0x0  }
0xa4: {  	s25 =	simm.s32 $0x1B8E;
	s24 =	sld [smem:$0x3FFE];
	[sflag:s23] =	ssyncadd.s32 $0xFFFFFFFF  }
0xa5: {  	s26 =	simm.s32 $execute0_lowered;
	[smem:$0x3FD2] =	sst s25  }
0xa6: {  	s4 =	sshll.u32 s26, $0x1;
	_ =	strace $0x80000049;
	[dreg:$0x1] =	wrdreg $0xFFFFFFFF  }
0xa7: {  	s28 =	simm.s32 $_size_execute0_lowered;
	s2 =	sadd.s32 s2, s4;
	[dreg:$0x0] =	wrdreg $0x0  }
0xa8: {  	s4 =	sshll.u32 s28, $0x1;
	[dreg:$0x2] =	wrdreg s2  }
0xa9: {  	[dreg:$0x3] =	wrdreg s4  }
0xaa: {  	[dreg:$0x4] =	wrdreg $0xC0  }
0xab: {  	_ =	task [dreg:s6], $0x5FFFF  }
0xac: {  	[dreg:$0x1] =	wrdreg $0xFFFFFFFF  }
0xad: {  	[dreg:$0x0] =	wrdreg $0x60  }
0xae: {  	[dreg:$0x2] =	wrdreg s24  }
0xaf: {  	[dreg:$0x3] =	wrdreg $0x9  }
0xb0: {  	_ =	task.clear_ibuf [dreg:s6], $0x4FFFF;
	_ =	strace $0x90000049  }
0xb1: {  	s29 =	simm.s32 $0x9;
	_ =	strace $0x8000004B  }
0xb2: {  	_ =	swait.ge [sflag:s29], $0x1  }
0xb3: {  	[sflag:s29] =	ssyncadd.s32 $0xFFFFFFFF  }
0xb4: {  	_ =	strace $0x9000004B  }
0xb5: {  	_ =	sfence  }
0xb6: {  	s30 =	sld [smem:$0x0];
	_ =	sdelay $0x2  }
0xb7: {  	s31 =	sshll.u32 s1, $0xD;
	s1 =	sshrl.u32 s1, $0x2  }
0xb8: {  	s3 =	sand.u32 $0x4000, s31;
	s1 =	sadd.s32 s1, s30  }
0xb9: {  	s0 =	sor.u32 s3, s0;
	s1 =	sshll.u32 s1, $0x11  }
0xba: {  	s0 =	sor.u32 s1, s0  }
0xbb: {  	s0 =	sadd.s32 $0x8F2B, s0  }
0xbc: {  	[sflag:s0] =	ssyncadd.remote.s32 $0x1  }
0xbd: {  	_ =	sfence.sel $0xFFFF  }
0xbe: {  	[dreg:$0x0] =	wrdreg $0xFFFFFFFF;
	(pc) =	sbr.abs _section_cstart, $3  }
0xbf: {  	[dreg:$0x1] =	wrdreg $0xFFFFFFFF  }
0xc0: {  	_ =	task.clear_ibuf [dreg:s6], $0x2FFFF;
	_ =	strace $0x9FFFFFFF  }
0xc1: {  	(tm) =	ssettm $0x7FFFFFFF  }
tec
execute0_lowered:
.L_overlay_start_1:
0x0: {  	(tag) =	ssettag $0x1  }
0x1: {  	s4 =	rddreg [dreg:$0x0]  }
0x2: {  	s0 =	rddreg [dreg:$0x1];
	s3 =	srdreg.scid  }
0x3: {  	s1 =	stileid.u32;
	s2 =	simm.s32 $0x0;
	s11 =	simm.s32 $0x8080  }
0x4: {  	s12 =	simm.s32 $0x0;
	s7 =	sand.u32 $0x1, s3;
	s30 =	sshll.u32 s1, $0x1  }
0x5: {  	[smem:$0x7FF] =	sst s2;
	s3 =	sadd.s32 $0xC00, s4;
	s9 =	sshll.u32 s1, $0x15  }
0x6: {  	s5 =	sor.u32 s7, s30;
	_ =	strace $0x8000004A;
	s8 =	ssub.s32 $0x2, s7  }
0x7: {  	s10 =	sshll.u32 s7, $0x14;
	s6 =	sshll.u32 s5, $0x4;
	s31 =	sshrl.u32 s8, $0x1  }
0x8: {  	s6 =	sadd.s32 s6, s4;
	s8 =	ssub.s32 s8, s31;
	s4 =	sshll.u32 s5, $0x14  }
0x9: {  	s5 =	sadd.s32 $0x400C00, s6;
	s6 =	sadd.s32 $0x400E00, s6;
	s7 =	smax.u32 s8, $0x1  }
0xa: {  	v0 =	vlaneseq.u32;
	s8 =	sor.u32 s10, s9;
	s9 =	simm.s32 $0x1;
	s10 =	simm.s32 $0x8000  }
.LBB2_1:
0xb: {  	v1 =	vimm.f32 $-Inf;
	v2 =	vimm.s32 $0x0;
	s13 =	smov.u32 s8;
	s14 =	simm.s32 $0x0  }
.LBB2_2:
0xc: {  	s15 =	sshll.u32 s14, $0xF  }
0xd: {  	s15 =	sadd.s32 s4, s15  }
0xe: {  	s15 =	sshrl.u32 s15, $0x3  }
0xf: {  	s16 =	simm.s32 $0x0;
	s15 =	sadd.s32 s3, s15  }
0x10: {  	[tilespmem:s16], [sflag:$0x1] =	stream.linear.gather [hbm4b:s15+s16], $0x8000, $0x38;
	[tilespmem:$0x8100] =	vst v63  }
0x11: {  	_ =	swait.ge [sflag:s9], $0x8000  }
0x12: {  	[sflag:s9] =	ssyncset.done $0x0  }
0x13: {  	s31 =	simm.s32 $0x0;
	[sflag:s9] =	ssyncadd.s32 $0xFFFF8000  }
0x14: {  	v3 =	vld [tilespmem:s31+$0x0];
	_ =	sdelay $0x3  }
0x15: {  	s16 =	simm.s32 $0x40;
	s15 =	smov.u32 s13  }
.LBB2_3:
0x16: {  	s17 =	sshra.s32 s16, $0x2;
	p0 =	sne.s32 s16, $0x1FFC0;
	s16 =	sadd.s32 $0x40, s16;
	v4 =	vor.u32 s15, v0;
	vm0 =	vgt.f32 v3, v1  }
.Ltmp0:
0x17: {  	v1 =	vsel vm0, v3, v1;
	v3 =	vld [tilespmem:s17+$0x0];
	v2 =	vsel vm0, v4, v2;
	(pc) =	sbr.rel @p0 .LBB2_3-.Ltmp0, $2  }
0x18: {  	_ =	sdelay $0x2  }
0x19: {  	s15 =	sadd.s32 $0x10, s15  }
0x1a: {  	s14 =	sadd.s32 $0x1, s14  }
0x1b: {  	p0 =	sne.s32 s14, $0x20  }
.Ltmp1:
0x1c: {  	_ = 	snop;
	(pc) =	sbr.rel @p0 .LBB2_2-.Ltmp1, $3  }
0x1d: {  	_ =	sdelay $0x1  }
0x1e: {  	v4 =	vor.u32 s15, v0;
	vm0 =	vgt.f32 v3, v1  }
0x1f: {  	s13 =	sadd.s32 $0x8000, s13;
	v1 =	vsel vm0, v3, v1;
	v2 =	vsel vm0, v4, v2  }
0x20: {  	[tilespmem:$0x8000] =	vst v1  }
0x21: {  	[tilespmem:$0x8080] =	vst v2  }
0x22: {  	[hbm4b:s5+s2] =	stream.linear.scatter [tilespmem:s10], [sflag:$0x1], $0x80, $0x38;
	[tilespmem:$0x8100] =	vst v63  }
0x23: {  	s12 =	sadd.s32 $0x1, s12;
	_ =	swait.ge [sflag:s9], $0x80  }
0x24: {  	p0 =	sne.s32 s12, s7;
	[sflag:s9] =	ssyncset.done $0x0  }
.Ltmp2:
0x25: {  	[sflag:s9] =	ssyncadd.s32 $0xFFFFFF80;
	(pc) =	sbr.rel @p0 .LBB2_1-.Ltmp2, $4  }
0x26: {  	[hbm4b:s6+s2] =	stream.linear.scatter [tilespmem:s11], [sflag:$0x1], $0x80, $0x38;
	[tilespmem:$0x8100] =	vst v63  }
0x27: {  	_ =	swait.ge [sflag:s9], $0x80  }
0x28: {  	[sflag:s9] =	ssyncset.done $0x0  }
0x29: {  	[sflag:s9] =	ssyncadd.s32 $0xFFFFFF80  }
0x2a: {  	_ =	sfence.sel $0x180000  }
0x2b: {  	[bflag:$0x0] =	sbarrier.arrive $0xFFFF  }
0x2c: {  	p0 =	sne.s32 s1, $0x0;
	_ =	strace $0x9000004A  }
0x2d: {  	s0 =	sadd.s32 @!p0 $0x100000, s0;
	[bflag:$0x2] =	sbarrier.arrive $0xFFFF  }
0x2e: {  	[sflag:s0] =	ssyncadd.tile.s32 @!p0 $0x1;
	_ =	shalt  }
.Lfunc_end2:
_tile_overlayer_lowered:
.L_overlay_start_2:
0x2f: {  	(tag) =	ssettag $0x2  }
0x30: {  	s0 =	rddreg [dreg:$0x0];
	s2 =	stileid.u32  }
0x31: {  	s1 =	rddreg [dreg:$0x1];
	p0 =	sne.s32 s2, $0x0  }
0x32: {  	s3 =	rddreg [dreg:$0x2];
	[bflag:$0x3] =	sbarrier.arrive $0xFFFF;
	s2 =	simm.s32 @!p0 $0x1C01  }
0x33: {  	[timem:s3], [sflag:s2] =	dma.local @!p0 [hbm:s0], s1  }
0x34: {  	s0 =	simm.s32 @!p0 $0x1  }
0x35: {  	_ =	swait.ge @!p0 [sflag:s0], s1  }
0x36: {  	s1 =	ssub.s32 @!p0 $0x0, s1;
	[sflag:s0] =	ssyncset.done @!p0 $0x0  }
0x37: {  	[sflag:s0] =	ssyncadd.s32 @!p0 s1  }
0x38: {  	[bflag:$0x3] =	sbarrier.arrive $0xFFFF  }
0x39: {  	_ =	shalt  }

// kernel: sparse-core-data-format-call.cloned.1.call-start
scs
called_computation_lowered:
.L_overlay_start_0:
0x0: {  	s2 =	sld [smem:$0x3FD9]  }
0x1: {  	s3 =	sld [smem:$0x3FFE];
	_ =	sdelay $0x1  }
0x2: {  	s1 =	srdreg.scid  }
0x3: {  	s0 =	sand.u32 $0x1, s1  }
0x4: {  	s18 =	sshll.u32 s0, $0xA;
	s2 =	sadd.s32 s3, s2  }
0x5: {  	s2 =	sadd.s32 s2, s18  }
0x6: {  	[smem:$0x3FC7] =	sst s2  }
0x7: {  	_ = 	snop  }
0x8: {  	s2 =	sld [smem:$0x3FC9];
	(tm) =	ssettm $0x1  }
0x9: {  	s19 =	sld [smem:$0x3FFB];
	_ =	sdelay $0x3  }
0xa: {  	_ =	strace s19  }
0xb: {  	s3 =	sld [smem:$0x3FFC];
	_ =	sdelay $0x3  }
0xc: {  	_ =	strace s3  }
0xd: {  	s3 =	sld [smem:$0x3FFD];
	_ =	sdelay $0x3  }
0xe: {  	_ =	strace s3  }
0xf: {  	_ =	strace $0x8FFFFFFF  }
0x10: {  	s20 =	sld [smem:$0x3FDB];
	_ =	sdelay $0x1  }
0x11: {  	s4 =	simm.s32 $_scs_section_size  }
0x12: {  	s5 =	simm.s32 $_size__tile_overlayer_lowered;
	s6 =	simm.s32 $_tile_overlayer_lowered  }
0x13: {  	s23 =	simm.s32 $0x1BFF;
	s22 =	sshll.u32 s6, $0x1;
	s3 =	sadd.s32 s4, s20  }
0x14: {  	s7 =	simm.s32 $0x0;
	s21 =	sshll.u32 s5, $0x1;
	s5 =	sadd.s32 s22, s3  }
0x15: {  	[timem:s7], [sflag:s23] =	dma.local [hbm:s5], s21  }
0x16: {  	_ =	swait.ge [sflag:s23], s21  }
0x17: {  	s4 =	ssub.s32 $0x0, s21;
	[sflag:s23] =	ssyncset.done $0x0  }
0x18: {  	[sflag:s23] =	ssyncadd.s32 s4;
	_ =	sdelay $0x1  }
0x19: {  	s24 =	simm.s32 $0x1B8B  }
0x1a: {  	_ =	swait.ge [sflag:s24], $0x1  }
0x1b: {  	[sflag:s24] =	ssyncset.done $0x0  }
0x1c: {  	s26 =	simm.s32 $0x1B8E;
	s25 =	sld [smem:$0x3FFE];
	[sflag:s24] =	ssyncadd.s32 $0xFFFFFFFF  }
0x1d: {  	s27 =	simm.s32 $execute0_lowered;
	[smem:$0x3FD2] =	sst s26  }
0x1e: {  	s5 =	sshll.u32 s27, $0x1;
	_ =	strace $0x80000046;
	[dreg:$0x1] =	wrdreg $0xFFFFFFFF  }
0x1f: {  	s28 =	simm.s32 $_size_execute0_lowered;
	s3 =	sadd.s32 s3, s5;
	[dreg:$0x0] =	wrdreg $0x0  }
0x20: {  	s5 =	sshll.u32 s28, $0x1;
	[dreg:$0x2] =	wrdreg s3  }
0x21: {  	[dreg:$0x3] =	wrdreg s5  }
0x22: {  	[dreg:$0x4] =	wrdreg $0xC0  }
0x23: {  	_ =	task [dreg:s7], $0x5FFFF  }
0x24: {  	[dreg:$0x1] =	wrdreg $0xFFFFFFFF  }
0x25: {  	[dreg:$0x0] =	wrdreg $0x60  }
0x26: {  	[dreg:$0x2] =	wrdreg s2  }
0x27: {  	[dreg:$0x3] =	wrdreg s25  }
0x28: {  	[dreg:$0x4] =	wrdreg $0x9  }
0x29: {  	_ =	task.clear_ibuf [dreg:s7], $0x5FFFF;
	_ =	strace $0x90000046  }
0x2a: {  	s29 =	simm.s32 $0x9;
	_ =	strace $0x80000048  }
0x2b: {  	_ =	swait.ge [sflag:s29], $0x1  }
0x2c: {  	[sflag:s29] =	ssyncadd.s32 $0xFFFFFFFF  }
0x2d: {  	_ =	strace $0x90000048  }
0x2e: {  	_ =	sfence  }
0x2f: {  	s30 =	sld [smem:$0x0];
	_ =	sdelay $0x2  }
0x30: {  	s31 =	sshll.u32 s1, $0xD;
	s1 =	sshrl.u32 s1, $0x2  }
0x31: {  	s3 =	sand.u32 $0x4000, s31;
	s1 =	sadd.s32 s1, s30  }
0x32: {  	s0 =	sor.u32 s3, s0;
	s1 =	sshll.u32 s1, $0x11  }
0x33: {  	s0 =	sor.u32 s1, s0  }
0x34: {  	s0 =	sadd.s32 $0x8F2B, s0  }
0x35: {  	[sflag:s0] =	ssyncadd.remote.s32 $0x1  }
0x36: {  	_ =	sfence.sel $0xFFFF  }
0x37: {  	[dreg:$0x0] =	wrdreg $0xFFFFFFFF;
	(pc) =	sbr.abs _section_cstart, $3  }
0x38: {  	[dreg:$0x1] =	wrdreg $0xFFFFFFFF  }
0x39: {  	_ =	task.clear_ibuf [dreg:s7], $0x2FFFF;
	_ =	strace $0x9FFFFFFF  }
0x3a: {  	(tm) =	ssettm $0x7FFFFFFF  }
0x3b: {  	_ =	shalt  }
tec
execute0_lowered:
.L_overlay_start_1:
0x0: {  	(tag) =	ssettag $0x1  }
0x1: {  	s2 =	rddreg [dreg:$0x0]  }
0x2: {  	s1 =	rddreg [dreg:$0x1]  }
0x3: {  	s0 =	rddreg [dreg:$0x2];
	_ =	strace $0x80000047;
	s4 =	srdreg.scid  }
0x4: {  	s6 =	simm.s32 $0x2;
	s11 =	simm.s32 $0x0;
	p0 =	por $0x0, $0x0  }
.Ltmp0:
0x5: {  	s7 =	simm.s32 $0x1000;
	s12 =	simm.s32 $0x0;
	(pc) =	sbr.rel .LBB1_1-.Ltmp0, $4  }
0x6: {  	s9 =	simm.s32 $0x0;
	s3 =	sadd.s32 $0xC00, s1;
	s5 =	sshll.u32 s4, $0x4  }
0x7: {  	s1 =	stileid.u32;
	s4 =	simm.s32 $0x1;
	s5 =	sand.u32 $0x10, s5  }
0x8: {  	s8 =	simm.s32 $0x0;
	[sflag:s4] =	ssyncpa.u1 $0x0;
	s5 =	sor.u32 s1, s5  }
0x9: {  	[sflag:s6] =	ssyncpa.u1 $0x0;
	s6 =	simm.s32 $0x800;
	s10 =	smov.u32 s5  }
.LBB1_7:
0xa: {  	s13 =	sadd.s32 $0x10, s9  }
0xb: {  	s11 =	sadd.s32 $0x20, s10;
	s15 =	smov.u32 s10;
	p2 =	sgt.s32 s13, $0x1F  }
0xc: {  	p1 =	slt.u32 s8, $0x2;
	s15 =	smov.u32 @p2 s11  }
0xd: {  	s8 =	sadd.s32 $0x1, s8;
	s13 =	simm.s32 @p2 $0x0;
	p2 =	sgt.s32 s15, $0x3FF  }
0xe: {  	s15 =	smov.u32 @p2 s5;
	p2 =	sne.s32 s8, $0x42  }
.Ltmp1:
0xf: {  	_ = 	snop;
	(pc) =	sbr.rel @!p2 .LBB1_8-.Ltmp1, $4  }
0x10: {  	s14 =	simm.s32 @!p1 $0x2  }
0x11: {  	s12 =	smov.u32 s10;
	_ =	swait.ge @!p1 [sflag:s14], $0x4000  }
0x12: {  	p0 =	por !p0, !p0;
	s11 =	smov.u32 s9;
	[sflag:s14] =	ssyncset.done @!p1 $0x0  }
0x13: {  	s9 =	smov.u32 s13;
	[sflag:s14] =	ssyncadd.s32 @!p1 $0xFFFFC000;
	s10 =	smov.u32 s15  }
.LBB1_1:
0x14: {  	p1 =	sgt.u32 s8, $0x3F  }
0x15: {  	s13 =	sxor.u32 @!p1 $0xFFFFFFFF, s8;
	s14 =	sshll.u32 @!p1 s10, $0xC  }
0x16: {  	s15 =	sshll.u32 @!p1 s9, $0x7;
	s13 =	sshll.u32 @!p1 s13, $0xE;
	s14 =	sadd.s32 @!p1 s2, s14  }
0x17: {  	s13 =	sand.u32 @!p1 $0x4000, s13;
	s14 =	sadd.s32 @!p1 s15, s14;
	s15 =	simm.s32 @!p1 $0x0  }
0x18: {  	[tilespmem:s13], [sflag:$0x1] =	stream.linear.gather @!p1 [hbm4b:s14+s15], $0x4000, $0x38;
	[tilespmem:$0x10000] =	vst v63  }
0x19: {  	p1 =	seq.s32 s8, $0x0  }
0x1a: {  	p2 =	seq.s32 @!p1 s8, $0x41  }
0x1b: {  	p1 =	por p1, p2  }
.Ltmp2:
0x1c: {  	_ = 	snop;
	(pc) =	sbr.rel @p1 .LBB1_7-.Ltmp2, $1  }
0x1d: {  	_ =	sdelay $0x3  }
0x1e: {  	s13 =	simm.s32 $0x1;
	_ =	swait.ge [sflag:s4], $0x4000;
	s16 =	sshll.u32 s8, $0xE  }
0x1f: {  	s13 =	simm.s32 @!p0 $0x0;
	[sflag:s4] =	ssyncset.done $0x0;
	s31 =	sand.u32 $0x4000, s16  }
0x20: {  	s16 =	simm.s32 $0x0;
	s14 =	sshll.u32 s13, $0xE;
	[sflag:s4] =	ssyncadd.s32 $0xFFFFC000  }
0x21: {  	s13 =	sor.u32 $0x8040, s14;
	s15 =	sor.u32 $0x40, s14;
	s14 =	sor.u32 $0x8000, s31  }
.LBB1_3:
0x22: {  	v0 =	vmov s15;
	_ =	sdelay $0x3  }
0x23: {  	s18 =	simm.s32 $0x0  }
0x24: {  	v6 =	vld.idx.msk [tilespmem:v0+s18+$0x30 ss:$0x1], $0xffff  }
0x25: {  	v7 =	vld.idx.msk [tilespmem:v0+s18+$0xFFFFFFC0 ss:$0x1], $0xffff  }
0x26: {  	v5 =	vld.idx.msk [tilespmem:v0+s18+$0xFFFFFFD0 ss:$0x1], $0xffff  }
0x27: {  	v4 =	vld.idx.msk [tilespmem:v0+s18+$0xFFFFFFE0 ss:$0x1], $0xffff  }
0x28: {  	v3 =	vld.idx.msk [tilespmem:v0+s18+$0xFFFFFFF0 ss:$0x1], $0xffff  }
0x29: {  	v1 =	vld.idx.msk [tilespmem:v0+s18+$0x0 ss:$0x1], $0xffff  }
0x2a: {  	v2 =	vld.idx.msk [tilespmem:v0+s18+$0x10 ss:$0x1], $0xffff;
	[tilespmem:s13+$0x30] =	vst v6  }
0x2b: {  	s17 =	simm.s32 $0x80;
	s19 =	simm.s32 $0x400;
	[tilespmem:s13+$0xFFFFFFC0] =	vst v7;
	v6 =	vld.idx.msk [tilespmem:v0+s18+$0x20 ss:$0x1], $0xffff;
	s18 =	smov.u32 s13  }
.LBB1_4:
0x2c: {  	p1 =	sne.s32 s19, $0xE00;
	v7 =	vld.idx.msk [tilespmem:v0+s17+$0x30 ss:$0x1], $0xffff;
	[tilespmem:s18+$0xFFFFFFD0] =	vst v5  }
0x2d: {  	v8 =	vld.idx.msk [tilespmem:v0+s17+$0xFFFFFFC0 ss:$0x1], $0xffff;
	[tilespmem:s18+$0xFFFFFFE0] =	vst v4  }
0x2e: {  	v5 =	vld.idx.msk [tilespmem:v0+s17+$0xFFFFFFD0 ss:$0x1], $0xffff;
	[tilespmem:s18+$0xFFFFFFF0] =	vst v3  }
.Ltmp3:
0x2f: {  	v4 =	vld.idx.msk [tilespmem:v0+s17+$0xFFFFFFE0 ss:$0x1], $0xffff;
	[tilespmem:s18+$0x0] =	vst v1;
	(pc) =	sbr.rel @p1 .LBB1_4-.Ltmp3, $4  }
0x30: {  	v3 =	vld.idx.msk [tilespmem:v0+s17+$0xFFFFFFF0 ss:$0x1], $0xffff;
	[tilespmem:s18+$0x10] =	vst v2  }
0x31: {  	v1 =	vld.idx.msk [tilespmem:v0+s17+$0x0 ss:$0x1], $0xffff;
	[tilespmem:s18+$0x20] =	vst v6;
	s18 =	sadd.s32 $0x800, s18  }
0x32: {  	v2 =	vld.idx.msk [tilespmem:v0+s17+$0x10 ss:$0x1], $0xffff;
	[tilespmem:s18+$0x30] =	vst v7  }
0x33: {  	[tilespmem:s18+$0xFFFFFFC0] =	vst v8;
	v6 =	vld.idx.msk [tilespmem:v0+s17+$0x20 ss:$0x1], $0xffff;
	s17 =	sshra.s32 s19, $0x2;
	s19 =	sadd.s32 $0x200, s19  }
0x34: {  	_ =	sdelay $0x2  }
0x35: {  	[tilespmem:s18+$0xFFFFFFD0] =	vst v5  }
0x36: {  	v56 =	vld.idx.msk [tilespmem:v0+s17+$0x30 ss:$0x1], $0xffff;
	[tilespmem:s18+$0xFFFFFFE0] =	vst v4  }
0x37: {  	v57 =	vld.idx.msk [tilespmem:v0+s17+$0xFFFFFFC0 ss:$0x1], $0xffff;
	[tilespmem:s18+$0xFFFFFFF0] =	vst v3  }
0x38: {  	v58 =	vld.idx.msk [tilespmem:v0+s17+$0xFFFFFFD0 ss:$0x1], $0xffff;
	[tilespmem:s18+$0x0] =	vst v1  }
0x39: {  	v59 =	vld.idx.msk [tilespmem:v0+s17+$0xFFFFFFE0 ss:$0x1], $0xffff;
	[tilespmem:s18+$0x10] =	vst v2  }
0x3a: {  	v60 =	vld.idx.msk [tilespmem:v0+s17+$0xFFFFFFF0 ss:$0x1], $0xffff;
	s31 =	sadd.s32 $0x800, s18;
	[tilespmem:s18+$0x20] =	vst v6  }
0x3b: {  	v61 =	vld.idx.msk [tilespmem:v0+s17+$0x0 ss:$0x1], $0xffff;
	[tilespmem:s31+$0x30] =	vst v56  }
0x3c: {  	v62 =	vld.idx.msk [tilespmem:v0+s17+$0x10 ss:$0x1], $0xffff;
	s16 =	sadd.s32 $0x1, s16;
	[tilespmem:s31+$0xFFFFFFC0] =	vst v57  }
0x3d: {  	v63 =	vld.idx.msk [tilespmem:v0+s17+$0x20 ss:$0x1], $0xffff;
	p1 =	sne.s32 s16, $0x10;
	[tilespmem:s31+$0xFFFFFFD0] =	vst v58  }
.Ltmp4:
0x3e: {  	[tilespmem:s31+$0xFFFFFFE0] =	vst v59;
	(pc) =	sbr.rel @p1 .LBB1_3-.Ltmp4, $4  }
0x3f: {  	[tilespmem:s31+$0xFFFFFFF0] =	vst v60  }
0x40: {  	[tilespmem:s31+$0x0] =	vst v61  }
0x41: {  	[tilespmem:s31+$0x10] =	vst v62  }
0x42: {  	s13 =	sadd.s32 $0x80, s13;
	s15 =	sadd.s32 $0x400, s15;
	[tilespmem:s31+$0x20] =	vst v63  }
.Ltmp5:
0x43: {  	(pc) =	sbr.rel .LBB1_7-.Ltmp5, $4  }
0x44: {  	s12 =	sshll.u32 s12, $0xC;
	s11 =	sshll.u32 s11, $0x4  }
0x45: {  	s11 =	sand.u32 $0x1F0, s11;
	s12 =	sadd.s32 s3, s12  }
0x46: {  	s11 =	sadd.s32 s11, s12  }
0x47: {  	[hbm4b:s11+s6] =	stream.strided.scatter [tilespmem:s14], [sflag:$0x2], $0x4000, s7, s6, $0x38;
	[tilespmem:$0x10000] =	vst v63  }
.LBB1_8:
0x48: {  	_ =	sfence.sel $0x180000  }
0x49: {  	s2 =	simm.s32 $0x1;
	[bflag:$0x0] =	sbarrier.arrive $0xFFFF  }
0x4a: {  	s31 =	simm.s32 $0x2;
	[sflag:s2] =	ssyncpa.u1 $0x1  }
0x4b: {  	[sflag:s31] =	ssyncpa.u1 $0x1  }
0x4c: {  	p0 =	sne.s32 s1, $0x0;
	_ =	strace $0x90000047  }
0x4d: {  	s0 =	sadd.s32 @!p0 $0x100000, s0;
	[bflag:$0x2] =	sbarrier.arrive $0xFFFF  }
0x4e: {  	[sflag:s0] =	ssyncadd.tile.s32 @!p0 $0x1;
	_ =	shalt  }
.Lfunc_end1:
_tile_overlayer_lowered:
.L_overlay_start_2:
0x4f: {  	(tag) =	ssettag $0x2  }
0x50: {  	s0 =	rddreg [dreg:$0x0];
	s2 =	stileid.u32  }
0x51: {  	s1 =	rddreg [dreg:$0x1];
	p0 =	sne.s32 s2, $0x0  }
0x52: {  	s3 =	rddreg [dreg:$0x2];
	[bflag:$0x3] =	sbarrier.arrive $0xFFFF;
	s2 =	simm.s32 @!p0 $0x1C01  }
0x53: {  	[timem:s3], [sflag:s2] =	dma.local @!p0 [hbm:s0], s1  }
0x54: {  	s0 =	simm.s32 @!p0 $0x1  }
0x55: {  	_ =	swait.ge @!p0 [sflag:s0], s1  }
0x56: {  	s1 =	ssub.s32 @!p0 $0x0, s1;
	[sflag:s0] =	ssyncset.done @!p0 $0x0  }
0x57: {  	[sflag:s0] =	ssyncadd.s32 @!p0 s1  }
0x58: {  	[bflag:$0x3] =	sbarrier.arrive $0xFFFF  }
0x59: {  	_ =	shalt  }

</sc_bundles>
